<compile_context>
chip_gen: v7x
topology: tpu7x:2x2x1
jax: 0.10.2.dev20260603
libtpu: 0.0.44.dev20260713+nightly
codegen_flags: <defaults>
</compile_context>

<pallas_src>
import functools

import jax
import jax.numpy as jnp
from jax import lax
from jax.experimental import pallas as pl
from jax.experimental.pallas import tpu as pltpu
from jax.experimental.pallas import tpu_sc as plsc

_N_GENES = 100000
_N_DH = 64
_N_LATENT = 50
_N_OI = 4096

_SC_CORES = 2
_SC_SUBCORES = 16
_NW = _SC_CORES * _SC_SUBCORES
_RPW = _N_OI // _NW


_L = 16


def _sc_gather_body(t_s, t_c, t_t, idx_hbm, out_s, out_c, out_t,
                    gidx, rows_s, rows_c, rows_t, sem_s, sem_c, sem_t):
    wid = lax.axis_index("s") * _SC_CORES + lax.axis_index("c")
    base = wid * _RPW
    pltpu.sync_copy(idx_hbm.at[pl.ds(base, _RPW)], gidx)
    lanes = lax.iota(jnp.int32, _L)

    def fire(i, carry):
        chunk = gidx[pl.ds((i // _L) * _L, _L)]
        g = jnp.sum(jnp.where(lanes == i % _L, chunk, 0))
        t = lax.shift_right_logical(g, 3)
        r = lax.bitwise_and(g, 7)
        pltpu.make_async_copy(
            t_s.at[t, pl.ds(r, 1)], rows_s.at[pl.ds(i, 1)], sem_s).start()
        pltpu.make_async_copy(
            t_c.at[t, pl.ds(r, 1)], rows_c.at[pl.ds(i, 1)], sem_c).start()
        pltpu.make_async_copy(
            t_t.at[t, pl.ds(r, 1)], rows_t.at[pl.ds(i, 1)], sem_t).start()
        return carry

    lax.fori_loop(0, _RPW, fire, 0)
    for rows, out, sem in ((rows_s, out_s, sem_s), (rows_c, out_c, sem_c),
                           (rows_t, out_t, sem_t)):
        pltpu.make_async_copy(out.at[pl.ds(0, _RPW)], rows, sem).wait()
        pltpu.sync_copy(rows, out.at[pl.ds(base, _RPW)])


@functools.cache
def _sc_gather():
  return pl.kernel(
    _sc_gather_body,
    out_type=[jax.ShapeDtypeStruct((_N_OI, _N_DH), jnp.float32)] * 3,
    mesh=plsc.VectorSubcoreMesh(
        core_axis_name="c", subcore_axis_name="s",
        num_cores=_SC_CORES, num_subcores=_SC_SUBCORES),
    scratch_types=[
        pltpu.VMEM((_RPW,), jnp.int32),
        pltpu.VMEM((_RPW, _N_DH), jnp.float32),
        pltpu.VMEM((_RPW, _N_DH), jnp.float32),
        pltpu.VMEM((_RPW, _N_DH), jnp.float32),
        pltpu.SemaphoreType.DMA,
        pltpu.SemaphoreType.DMA,
        pltpu.SemaphoreType.DMA,
    ],
    compiler_params=pltpu.CompilerParams(needs_layout_passes=False),
  )


def _height_body(s_ref, c_ref, t_ref, lat_ref, o_ref):
    e = jnp.exp(c_ref[...]).T[None, :, :]
    t = t_ref[...].T[None, :, :]
    s = s_ref[...].T[None, :, :]
    lat = lat_ref[...][:, :, None]
    x = e * lat + t
    o_ref[...] = s / (1.0 + jnp.exp(-x))


_HB = 512


def _height(gs, gc, gt, lat2):
    return pl.pallas_call(
        _height_body,
        grid=(_N_OI // _HB,),
        in_specs=[
            pl.BlockSpec((_HB, _N_DH), lambda i: (i, 0)),
            pl.BlockSpec((_HB, _N_DH), lambda i: (i, 0)),
            pl.BlockSpec((_HB, _N_DH), lambda i: (i, 0)),
            pl.BlockSpec((_N_LATENT, 1), lambda i: (0, 0)),
        ],
        out_specs=pl.BlockSpec((_N_LATENT, _N_DH, _HB),
                               lambda i: (0, 0, i)),
        out_shape=jax.ShapeDtypeStruct((_N_LATENT, _N_DH, _N_OI),
                                       jnp.float32),
    )(gs, gc, gt, lat2)


def _overall_body(w_ref, lat_ref, o_ref):
    o_ref[...] = w_ref[...][None] * lat_ref[...]


_OBL = 10


def _overall(w2, lat3):
    return pl.pallas_call(
        _overall_body,
        grid=(_N_LATENT // _OBL,),
        in_specs=[
            pl.BlockSpec((1, _N_GENES), lambda i: (0, 0)),
            pl.BlockSpec((_OBL, 1, 1), lambda i: (i, 0, 0)),
        ],
        out_specs=pl.BlockSpec((_OBL, 1, _N_GENES), lambda i: (i, 0, 0)),
        out_shape=jax.ShapeDtypeStruct((_N_LATENT, 1, _N_GENES),
                                       jnp.float32),
    )(w2, lat3)


def kernel(latent, genes_oi, W_height_slope, W_height_scale, W_height_shift,
           W_overall_slope):
    v3 = lambda w: w.reshape(_N_GENES // 8, 8, _N_DH)
    g_s, g_c, g_t = _sc_gather()(
        v3(W_height_slope), v3(W_height_scale), v3(W_height_shift), genes_oi)
    lat2 = latent.reshape(_N_LATENT, 1)
    dh_t = _height(g_s, g_c, g_t, lat2)
    do_f = _overall(W_overall_slope.reshape(1, _N_GENES),
                    latent.reshape(_N_LATENT, 1, 1))
    dh = jnp.transpose(dh_t, (2, 1, 0))
    do = jnp.transpose(do_f, (2, 1, 0))
    return (dh, do)

# --- scband reference (transcript-rebuilt; emitter-appended) ---
"""Pipeline reference for scband-decoder-15599321219083 (READ-ONLY COPY).

The authoritative reference and input builder live on the scoring server;
editing this copy changes nothing except your own understanding.
"""

import jax, jax.numpy as jnp
import numpy as np

N_GENES = 100000
N_DELTA_HEIGHT = 64
N_LATENT = 50
N_GENES_OI = 4096


def setup_inputs(seed: int = 0) -> dict:
    key = jax.random.key(seed)
    k1, k2, k3, k4, k5, k6 = jax.random.split(key, 6)
    latent = jax.random.normal(k1, (N_LATENT,), dtype=jnp.float32)
    genes_oi = jax.random.randint(k2, (N_GENES_OI,), 0, N_GENES, dtype=jnp.int32)
    # Learned sparse embedding tables (torch init is zeros; use small random values
    # so forward/backward are numerically non-degenerate but faithful in structure).
    W_height_slope = jax.random.normal(k3, (N_GENES, N_DELTA_HEIGHT), dtype=jnp.float32) * 0.01
    W_height_scale = jax.random.normal(k4, (N_GENES, N_DELTA_HEIGHT), dtype=jnp.float32) * 0.01
    W_height_shift = jax.random.normal(k5, (N_GENES, N_DELTA_HEIGHT), dtype=jnp.float32) * 0.01
    W_overall_slope = jax.random.normal(k6, (N_GENES, 1), dtype=jnp.float32) * 0.01
    return {
        "latent": latent,
        "genes_oi": genes_oi,
        "W_height_slope": W_height_slope,
        "W_height_scale": W_height_scale,
        "W_height_shift": W_height_shift,
        "W_overall_slope": W_overall_slope,
    }


def reference(latent, genes_oi, W_height_slope, W_height_scale, W_height_shift, W_overall_slope):
    # EmbeddingTensor(genes_oi): gather rows of the sparse tables
    dh_slope = jnp.take(W_height_slope, genes_oi, axis=0)   # [G_oi, n_dh]
    dh_scale = jnp.take(W_height_scale, genes_oi, axis=0)   # [G_oi, n_dh]
    dh_shift = jnp.take(W_height_shift, genes_oi, axis=0)   # [G_oi, n_dh]
    do_slope = W_overall_slope                               # get_full_weight(): [n_genes, 1]

    lat = latent[None, None, :]                              # [1, 1, n_latent]
    do_slope = do_slope[:, :, None]                          # [n_genes, 1, 1]
    delta_overall = do_slope * lat                           # [n_genes, 1, n_latent]

    dh_slope = dh_slope[:, :, None]                          # [G_oi, n_dh, 1]
    dh_scale = dh_scale[:, :, None]
    dh_shift = dh_shift[:, :, None]
    delta_height = dh_slope / (1.0 + jnp.exp(-jnp.exp(dh_scale) * lat - dh_shift))  # [G_oi, n_dh, n_latent]
    return (delta_height, delta_overall)

if __name__ == "__main__":
    import jax
    _d = setup_inputs()
    print(jax.jit(kernel)(*tuple(_d.values())))

</pallas_src>

<mosaic_0001>
#map = affine_map<(d0, d1) -> (0, 0, 0)>
#map1 = affine_map<(d0, d1) -> (0)>
#map2 = affine_map<(d0, d1) -> (0, 0)>
module attributes {stable_mosaic.version = 14 : i64} {
  func.func @_sc_gather_body(%arg0: i32, %arg1: i32, %arg2: memref<12500x8x64xf32, #tpu.memory_space<hbm>>, %arg3: memref<12500x8x64xf32, #tpu.memory_space<hbm>>, %arg4: memref<12500x8x64xf32, #tpu.memory_space<hbm>>, %arg5: memref<4096xi32, #tpu.memory_space<hbm>>, %arg6: memref<4096x64xf32, #tpu.memory_space<hbm>>, %arg7: memref<4096x64xf32, #tpu.memory_space<hbm>>, %arg8: memref<4096x64xf32, #tpu.memory_space<hbm>>, %arg9: memref<128xi32, #tpu.memory_space<vmem>>, %arg10: memref<128x64xf32, #tpu.memory_space<vmem>>, %arg11: memref<128x64xf32, #tpu.memory_space<vmem>>, %arg12: memref<128x64xf32, #tpu.memory_space<vmem>>, %arg13: memref<!tpu.dma_semaphore, #tpu.memory_space<semaphore_mem>>, %arg14: memref<!tpu.dma_semaphore, #tpu.memory_space<semaphore_mem>>, %arg15: memref<!tpu.dma_semaphore, #tpu.memory_space<semaphore_mem>>) attributes {dimension_semantics = [#tpu.dimension_semantics<core_parallel>, #tpu.dimension_semantics<subcore_parallel>], iteration_bounds = array<i64: 2, 16>, scalar_prefetch = 0 : i64, scratch_operands = 7 : i64, tpu.core_type = #tpu.core_type<sc_vector_subcore>, window_params = [{transform_indices = #map}, {transform_indices = #map}, {transform_indices = #map}, {transform_indices = #map1}, {transform_indices = #map2}, {transform_indices = #map2}, {transform_indices = #map2}]} {
    %mul3A = arith.constant 2 : i32
    %mul3A_0 = arith.muli %arg1, %mul3A : i32
    %add3A = arith.addi %mul3A_0, %arg0 : i32
    %mul3A_1 = arith.constant 128 : i32
    %mul3A_2 = arith.muli %add3A, %mul3A_1 : i32
    "tpu.region"() ({
      %run_scoped3A = tpu.sem_alloc : memref<!tpu.dma_semaphore, #tpu.memory_space<semaphore_mem>>
      %dma_start3A = tpu.memref_slice %arg5[%mul3A_2] : memref<4096xi32, #tpu.memory_space<hbm>> -> memref<128xi32, #tpu.memory_space<hbm>>
      %dma_start3A_25 = tpu.memref_slice %arg5[%mul3A_2] : memref<4096xi32, #tpu.memory_space<hbm>> -> memref<128xi32, #tpu.memory_space<hbm>>
      tpu.enqueue_dma source(%dma_start3A_25 : memref<128xi32, #tpu.memory_space<hbm>>) target(%arg9 : memref<128xi32, #tpu.memory_space<vmem>>) target_semaphore(%run_scoped3A : memref<!tpu.dma_semaphore, #tpu.memory_space<semaphore_mem>>)
      %dma_wait3A_26 = tpu.memref_slice %arg5[%mul3A_2] : memref<4096xi32, #tpu.memory_space<hbm>> -> memref<128xi32, #tpu.memory_space<hbm>>
      %dma_wait3A_27 = tpu.memref_slice %arg5[%mul3A_2] : memref<4096xi32, #tpu.memory_space<hbm>> -> memref<128xi32, #tpu.memory_space<hbm>>
      tpu.wait_dma2 semaphore(%run_scoped3A : memref<!tpu.dma_semaphore, #tpu.memory_space<semaphore_mem>>) src(%dma_wait3A_27 : memref<128xi32, #tpu.memory_space<hbm>>) dst(%arg9 : memref<128xi32, #tpu.memory_space<vmem>>)
      tpu.yield
    }) : () -> ()
    %iota3A = tpu.iota {dimensions = array<i32: 0>} : vector<16xi32>
    %scan3A = arith.constant 0 : i32
    %scan3A_3 = arith.constant 0 : i32
    %scan3A_4 = arith.constant 128 : i32
    %scan3A_5 = arith.addi %scan3A_3, %scan3A_4 : i32
    %scan3A_6 = arith.constant 1 : i32
    scf.for %scan3A_25 = %scan3A_3 to %scan3A_5 step %scan3A_6  : i32 {
      %jit3A = arith.constant 16 : i32
      %div3A = arith.divsi %scan3A_25, %jit3A : i32
      %sign3A = arith.constant 0 : i32
      %sign3A_26 = arith.cmpi sgt, %scan3A_25, %sign3A : i32
      %sign3A_27 = arith.extui %sign3A_26 : i1 to i32
      %sign3A_28 = arith.constant 0 : i32
      %sign3A_29 = arith.cmpi slt, %scan3A_25, %sign3A_28 : i32
      %sign3A_30 = arith.extui %sign3A_29 : i1 to i32
      %sign3A_31 = arith.subi %sign3A_27, %sign3A_30 : i32
      %sign3A_32 = arith.constant 0 : i32
      %sign3A_33 = arith.cmpi sgt, %jit3A, %sign3A_32 : i32
      %sign3A_34 = arith.extui %sign3A_33 : i1 to i32
      %sign3A_35 = arith.constant 0 : i32
      %sign3A_36 = arith.cmpi slt, %jit3A, %sign3A_35 : i32
      %sign3A_37 = arith.extui %sign3A_36 : i1 to i32
      %sign3A_38 = arith.subi %sign3A_34, %sign3A_37 : i32
      %ne3A = arith.cmpi ne, %sign3A_31, %sign3A_38 : i32
      %rem3A = arith.remsi %scan3A_25, %jit3A : i32
      %ne3A_39 = arith.constant 0 : i32
      %ne3A_40 = arith.cmpi ne, %rem3A, %ne3A_39 : i32
      %and3A = arith.andi %ne3A, %ne3A_40 : i1
      %sub3A = arith.constant 1 : i32
      %sub3A_41 = arith.subi %div3A, %sub3A : i32
      %select_n3A = arith.select %and3A, %sub3A_41, %div3A : i32
      %mul3A_42 = arith.constant 16 : i32
      %mul3A_43 = arith.muli %select_n3A, %mul3A_42 : i32
      %get3A = arith.index_cast %mul3A_43 : i32 to index
      %get3A_44 = tpu.vector_load %arg9[%get3A] {strides = array<i32>} : memref<128xi32, #tpu.memory_space<vmem>>, vector<16xi32>,
      %jit3A_45 = arith.constant 16 : i32
      %eq3A = arith.constant 0 : i32
      %eq3A_46 = arith.cmpi eq, %jit3A_45, %eq3A : i32
      %jit3A_47 = arith.constant 1 : i32
      %select_n3A_48 = arith.select %eq3A_46, %jit3A_47, %jit3A_45 : i32
      %rem3A_49 = arith.remsi %scan3A_25, %select_n3A_48 : i32
      %ne3A_50 = arith.constant 0 : i32
      %ne3A_51 = arith.cmpi ne, %rem3A_49, %ne3A_50 : i32
      %lt3A = arith.constant 0 : i32
      %lt3A_52 = arith.cmpi slt, %rem3A_49, %lt3A : i32
      %lt3A_53 = arith.constant 0 : i32
      %lt3A_54 = arith.cmpi slt, %select_n3A_48, %lt3A_53 : i32
      %ne3A_55 = arith.xori %lt3A_52, %lt3A_54 : i1
      %and3A_56 = arith.andi %ne3A_55, %ne3A_51 : i1
      %add3A_57 = arith.addi %rem3A_49, %select_n3A_48 : i32
      %select_n3A_58 = arith.select %and3A_56, %add3A_57, %rem3A_49 : i32
      %eq3A_59 = vector.broadcast %select_n3A_58 : i32 to vector<16xi32>
      %eq3A_60 = arith.cmpi eq, %iota3A, %eq3A_59 : vector<16xi32>
      %jit3A_61 = arith.constant 0 : i32
      %broadcast_in_dim3A = vector.broadcast %jit3A_61 : i32 to vector<16xi32>
      %select_n3A_62 = arith.select %eq3A_60, %get3A_44, %broadcast_in_dim3A : vector<16xi1>, vector<16xi32>
      %reduce_sum3A = arith.constant true
      %reduce_sum3A_63 = vector.broadcast %reduce_sum3A : i1 to vector<16xi1>
      %reduce_sum3A_64 = tpu.scan <sum>, %select_n3A_62 masked %reduce_sum3A_63 : vector<16xi32>, vector<16xi1> -> vector<16xi32>
      %reduce_sum3A_65 = vector.extract %reduce_sum3A_64[15] : i32 from vector<16xi32>
      %shift_right_logical3A = arith.constant 3 : i32
      %shift_right_logical3A_66 = arith.shrui %reduce_sum3A_65, %shift_right_logical3A : i32
      %and3A_67 = arith.constant 7 : i32
      %and3A_68 = arith.andi %reduce_sum3A_65, %and3A_67 : i32
      %dma_start3A = arith.constant 0 : i32
      %dma_start3A_69 = tpu.memref_slice %arg10[%scan3A_25, %dma_start3A] : memref<128x64xf32, #tpu.memory_space<vmem>> -> memref<1x64xf32, #tpu.memory_space<vmem>>
      %dma_start3A_70 = arith.constant 0 : i32
      %dma_start3A_71 = tpu.memref_slice %arg2[%shift_right_logical3A_66, %and3A_68, %dma_start3A_70] : memref<12500x8x64xf32, #tpu.memory_space<hbm>> -> memref<1x1x64xf32, #tpu.memory_space<hbm>>
      %dma_start3A_72 = tpu.memref_squeeze %dma_start3A_71 : memref<1x1x64xf32, #tpu.memory_space<hbm>> -> memref<1x64xf32, #tpu.memory_space<hbm>>
      %dma_start3A_73 = arith.constant 0 : i32
      %dma_start3A_74 = tpu.memref_slice %arg10[%scan3A_25, %dma_start3A_73] : memref<128x64xf32, #tpu.memory_space<vmem>> -> memref<1x64xf32, #tpu.memory_space<vmem>>
      %dma_start3A_75 = arith.constant 0 : i32
      %dma_start3A_76 = tpu.memref_slice %arg2[%shift_right_logical3A_66, %and3A_68, %dma_start3A_75] : memref<12500x8x64xf32, #tpu.memory_space<hbm>> -> memref<1x1x64xf32, #tpu.memory_space<hbm>>
      %dma_start3A_77 = tpu.memref_squeeze %dma_start3A_76 : memref<1x1x64xf32, #tpu.memory_space<hbm>> -> memref<1x64xf32, #tpu.memory_space<hbm>>
      tpu.enqueue_dma source(%dma_start3A_77 : memref<1x64xf32, #tpu.memory_space<hbm>>) target(%dma_start3A_74 : memref<1x64xf32, #tpu.memory_space<vmem>>) target_semaphore(%arg13 : memref<!tpu.dma_semaphore, #tpu.memory_space<semaphore_mem>>)
      %dma_start3A_78 = arith.constant 0 : i32
      %dma_start3A_79 = tpu.memref_slice %arg11[%scan3A_25, %dma_start3A_78] : memref<128x64xf32, #tpu.memory_space<vmem>> -> memref<1x64xf32, #tpu.memory_space<vmem>>
      %dma_start3A_80 = arith.constant 0 : i32
      %dma_start3A_81 = tpu.memref_slice %arg3[%shift_right_logical3A_66, %and3A_68, %dma_start3A_80] : memref<12500x8x64xf32, #tpu.memory_space<hbm>> -> memref<1x1x64xf32, #tpu.memory_space<hbm>>
      %dma_start3A_82 = tpu.memref_squeeze %dma_start3A_81 : memref<1x1x64xf32, #tpu.memory_space<hbm>> -> memref<1x64xf32, #tpu.memory_space<hbm>>
      %dma_start3A_83 = arith.constant 0 : i32
      %dma_start3A_84 = tpu.memref_slice %arg11[%scan3A_25, %dma_start3A_83] : memref<128x64xf32, #tpu.memory_space<vmem>> -> memref<1x64xf32, #tpu.memory_space<vmem>>
      %dma_start3A_85 = arith.constant 0 : i32
      %dma_start3A_86 = tpu.memref_slice %arg3[%shift_right_logical3A_66, %and3A_68, %dma_start3A_85] : memref<12500x8x64xf32, #tpu.memory_space<hbm>> -> memref<1x1x64xf32, #tpu.memory_space<hbm>>
      %dma_start3A_87 = tpu.memref_squeeze %dma_start3A_86 : memref<1x1x64xf32, #tpu.memory_space<hbm>> -> memref<1x64xf32, #tpu.memory_space<hbm>>
      tpu.enqueue_dma source(%dma_start3A_87 : memref<1x64xf32, #tpu.memory_space<hbm>>) target(%dma_start3A_84 : memref<1x64xf32, #tpu.memory_space<vmem>>) target_semaphore(%arg14 : memref<!tpu.dma_semaphore, #tpu.memory_space<semaphore_mem>>)
      %dma_start3A_88 = arith.constant 0 : i32
      %dma_start3A_89 = tpu.memref_slice %arg12[%scan3A_25, %dma_start3A_88] : memref<128x64xf32, #tpu.memory_space<vmem>> -> memref<1x64xf32, #tpu.memory_space<vmem>>
      %dma_start3A_90 = arith.constant 0 : i32
      %dma_start3A_91 = tpu.memref_slice %arg4[%shift_right_logical3A_66, %and3A_68, %dma_start3A_90] : memref<12500x8x64xf32, #tpu.memory_space<hbm>> -> memref<1x1x64xf32, #tpu.memory_space<hbm>>
      %dma_start3A_92 = tpu.memref_squeeze %dma_start3A_91 : memref<1x1x64xf32, #tpu.memory_space<hbm>> -> memref<1x64xf32, #tpu.memory_space<hbm>>
      %dma_start3A_93 = arith.constant 0 : i32
      %dma_start3A_94 = tpu.memref_slice %arg12[%scan3A_25, %dma_start3A_93] : memref<128x64xf32, #tpu.memory_space<vmem>> -> memref<1x64xf32, #tpu.memory_space<vmem>>
      %dma_start3A_95 = arith.constant 0 : i32
      %dma_start3A_96 = tpu.memref_slice %arg4[%shift_right_logical3A_66, %and3A_68, %dma_start3A_95] : memref<12500x8x64xf32, #tpu.memory_space<hbm>> -> memref<1x1x64xf32, #tpu.memory_space<hbm>>
      %dma_start3A_97 = tpu.memref_squeeze %dma_start3A_96 : memref<1x1x64xf32, #tpu.memory_space<hbm>> -> memref<1x64xf32, #tpu.memory_space<hbm>>
      tpu.enqueue_dma source(%dma_start3A_97 : memref<1x64xf32, #tpu.memory_space<hbm>>) target(%dma_start3A_94 : memref<1x64xf32, #tpu.memory_space<vmem>>) target_semaphore(%arg15 : memref<!tpu.dma_semaphore, #tpu.memory_space<semaphore_mem>>)
    }
    %scan3A_7 = arith.constant 128 : i32
    %dma_wait3A = arith.constant 0 : i32
    %dma_wait3A_8 = arith.constant 0 : i32
    %dma_wait3A_9 = tpu.memref_slice %arg6[%dma_wait3A, %dma_wait3A_8] : memref<4096x64xf32, #tpu.memory_space<hbm>> -> memref<128x64xf32, #tpu.memory_space<hbm>>
    %dma_wait3A_10 = arith.constant 0 : i32
    %dma_wait3A_11 = arith.constant 0 : i32
    %dma_wait3A_12 = tpu.memref_slice %arg6[%dma_wait3A_10, %dma_wait3A_11] : memref<4096x64xf32, #tpu.memory_space<hbm>> -> memref<128x64xf32, #tpu.memory_space<hbm>>
    tpu.wait_dma2 semaphore(%arg13 : memref<!tpu.dma_semaphore, #tpu.memory_space<semaphore_mem>>) src(%dma_wait3A_12 : memref<128x64xf32, #tpu.memory_space<hbm>>) dst(%arg10 : memref<128x64xf32, #tpu.memory_space<vmem>>)
    "tpu.region"() ({
      %run_scoped3A = tpu.sem_alloc : memref<!tpu.dma_semaphore, #tpu.memory_space<semaphore_mem>>
      %dma_start3A = arith.constant 0 : i32
      %dma_start3A_25 = tpu.memref_slice %arg6[%mul3A_2, %dma_start3A] : memref<4096x64xf32, #tpu.memory_space<hbm>> -> memref<128x64xf32, #tpu.memory_space<hbm>>
      %dma_start3A_26 = arith.constant 0 : i32
      %dma_start3A_27 = tpu.memref_slice %arg6[%mul3A_2, %dma_start3A_26] : memref<4096x64xf32, #tpu.memory_space<hbm>> -> memref<128x64xf32, #tpu.memory_space<hbm>>
      tpu.enqueue_dma source(%arg10 : memref<128x64xf32, #tpu.memory_space<vmem>>) target(%dma_start3A_27 : memref<128x64xf32, #tpu.memory_space<hbm>>) target_semaphore(%run_scoped3A : memref<!tpu.dma_semaphore, #tpu.memory_space<semaphore_mem>>)
      %dma_wait3A_28 = arith.constant 0 : i32
      %dma_wait3A_29 = tpu.memref_slice %arg6[%mul3A_2, %dma_wait3A_28] : memref<4096x64xf32, #tpu.memory_space<hbm>> -> memref<128x64xf32, #tpu.memory_space<hbm>>
      %dma_wait3A_30 = arith.constant 0 : i32
      %dma_wait3A_31 = tpu.memref_slice %arg6[%mul3A_2, %dma_wait3A_30] : memref<4096x64xf32, #tpu.memory_space<hbm>> -> memref<128x64xf32, #tpu.memory_space<hbm>>
      tpu.wait_dma2 semaphore(%run_scoped3A : memref<!tpu.dma_semaphore, #tpu.memory_space<semaphore_mem>>) src(%arg10 : memref<128x64xf32, #tpu.memory_space<vmem>>) dst(%dma_wait3A_31 : memref<128x64xf32, #tpu.memory_space<hbm>>)
      tpu.yield
    }) : () -> ()
    %dma_wait3A_13 = arith.constant 0 : i32
    %dma_wait3A_14 = arith.constant 0 : i32
    %dma_wait3A_15 = tpu.memref_slice %arg7[%dma_wait3A_13, %dma_wait3A_14] : memref<4096x64xf32, #tpu.memory_space<hbm>> -> memref<128x64xf32, #tpu.memory_space<hbm>>
    %dma_wait3A_16 = arith.constant 0 : i32
    %dma_wait3A_17 = arith.constant 0 : i32
    %dma_wait3A_18 = tpu.memref_slice %arg7[%dma_wait3A_16, %dma_wait3A_17] : memref<4096x64xf32, #tpu.memory_space<hbm>> -> memref<128x64xf32, #tpu.memory_space<hbm>>
    tpu.wait_dma2 semaphore(%arg14 : memref<!tpu.dma_semaphore, #tpu.memory_space<semaphore_mem>>) src(%dma_wait3A_18 : memref<128x64xf32, #tpu.memory_space<hbm>>) dst(%arg11 : memref<128x64xf32, #tpu.memory_space<vmem>>)
    "tpu.region"() ({
      %run_scoped3A = tpu.sem_alloc : memref<!tpu.dma_semaphore, #tpu.memory_space<semaphore_mem>>
      %dma_start3A = arith.constant 0 : i32
      %dma_start3A_25 = tpu.memref_slice %arg7[%mul3A_2, %dma_start3A] : memref<4096x64xf32, #tpu.memory_space<hbm>> -> memref<128x64xf32, #tpu.memory_space<hbm>>
      %dma_start3A_26 = arith.constant 0 : i32
      %dma_start3A_27 = tpu.memref_slice %arg7[%mul3A_2, %dma_start3A_26] : memref<4096x64xf32, #tpu.memory_space<hbm>> -> memref<128x64xf32, #tpu.memory_space<hbm>>
      tpu.enqueue_dma source(%arg11 : memref<128x64xf32, #tpu.memory_space<vmem>>) target(%dma_start3A_27 : memref<128x64xf32, #tpu.memory_space<hbm>>) target_semaphore(%run_scoped3A : memref<!tpu.dma_semaphore, #tpu.memory_space<semaphore_mem>>)
      %dma_wait3A_28 = arith.constant 0 : i32
      %dma_wait3A_29 = tpu.memref_slice %arg7[%mul3A_2, %dma_wait3A_28] : memref<4096x64xf32, #tpu.memory_space<hbm>> -> memref<128x64xf32, #tpu.memory_space<hbm>>
      %dma_wait3A_30 = arith.constant 0 : i32
      %dma_wait3A_31 = tpu.memref_slice %arg7[%mul3A_2, %dma_wait3A_30] : memref<4096x64xf32, #tpu.memory_space<hbm>> -> memref<128x64xf32, #tpu.memory_space<hbm>>
      tpu.wait_dma2 semaphore(%run_scoped3A : memref<!tpu.dma_semaphore, #tpu.memory_space<semaphore_mem>>) src(%arg11 : memref<128x64xf32, #tpu.memory_space<vmem>>) dst(%dma_wait3A_31 : memref<128x64xf32, #tpu.memory_space<hbm>>)
      tpu.yield
    }) : () -> ()
    %dma_wait3A_19 = arith.constant 0 : i32
    %dma_wait3A_20 = arith.constant 0 : i32
    %dma_wait3A_21 = tpu.memref_slice %arg8[%dma_wait3A_19, %dma_wait3A_20] : memref<4096x64xf32, #tpu.memory_space<hbm>> -> memref<128x64xf32, #tpu.memory_space<hbm>>
    %dma_wait3A_22 = arith.constant 0 : i32
    %dma_wait3A_23 = arith.constant 0 : i32
    %dma_wait3A_24 = tpu.memref_slice %arg8[%dma_wait3A_22, %dma_wait3A_23] : memref<4096x64xf32, #tpu.memory_space<hbm>> -> memref<128x64xf32, #tpu.memory_space<hbm>>
    tpu.wait_dma2 semaphore(%arg15 : memref<!tpu.dma_semaphore, #tpu.memory_space<semaphore_mem>>) src(%dma_wait3A_24 : memref<128x64xf32, #tpu.memory_space<hbm>>) dst(%arg12 : memref<128x64xf32, #tpu.memory_space<vmem>>)
    "tpu.region"() ({
      %run_scoped3A = tpu.sem_alloc : memref<!tpu.dma_semaphore, #tpu.memory_space<semaphore_mem>>
      %dma_start3A = arith.constant 0 : i32
      %dma_start3A_25 = tpu.memref_slice %arg8[%mul3A_2, %dma_start3A] : memref<4096x64xf32, #tpu.memory_space<hbm>> -> memref<128x64xf32, #tpu.memory_space<hbm>>
      %dma_start3A_26 = arith.constant 0 : i32
      %dma_start3A_27 = tpu.memref_slice %arg8[%mul3A_2, %dma_start3A_26] : memref<4096x64xf32, #tpu.memory_space<hbm>> -> memref<128x64xf32, #tpu.memory_space<hbm>>
      tpu.enqueue_dma source(%arg12 : memref<128x64xf32, #tpu.memory_space<vmem>>) target(%dma_start3A_27 : memref<128x64xf32, #tpu.memory_space<hbm>>) target_semaphore(%run_scoped3A : memref<!tpu.dma_semaphore, #tpu.memory_space<semaphore_mem>>)
      %dma_wait3A_28 = arith.constant 0 : i32
      %dma_wait3A_29 = tpu.memref_slice %arg8[%mul3A_2, %dma_wait3A_28] : memref<4096x64xf32, #tpu.memory_space<hbm>> -> memref<128x64xf32, #tpu.memory_space<hbm>>
      %dma_wait3A_30 = arith.constant 0 : i32
      %dma_wait3A_31 = tpu.memref_slice %arg8[%mul3A_2, %dma_wait3A_30] : memref<4096x64xf32, #tpu.memory_space<hbm>> -> memref<128x64xf32, #tpu.memory_space<hbm>>
      tpu.wait_dma2 semaphore(%run_scoped3A : memref<!tpu.dma_semaphore, #tpu.memory_space<semaphore_mem>>) src(%arg12 : memref<128x64xf32, #tpu.memory_space<vmem>>) dst(%dma_wait3A_31 : memref<128x64xf32, #tpu.memory_space<hbm>>)
      tpu.yield
    }) : () -> ()
    return
  }
}

module attributes {stable_mosaic.version = 14 : i64} {
  func.func @_overall_body(%arg0: i32, %arg1: memref<1x100000xf32, #tpu.memory_space<vmem>>, %arg2: memref<10x1x1xf32, #tpu.memory_space<vmem>>, %arg3: memref<10x1x100000xf32, #tpu.memory_space<vmem>>) attributes {dimension_semantics = [#tpu.dimension_semantics<arbitrary>], iteration_bounds = array<i64: 5>, scalar_prefetch = 0 : i64, scratch_operands = 0 : i64, tpu.core_type = #tpu.core_type<tc>, window_params = [{pipeline_mode = #tpu.pipeline_mode<synchronous>, transform_indices = @transform_0, window_bounds = array<i64: 1, 100000>}, {transform_indices = @transform_1, window_bounds = array<i64: 10, 1, 1>}, {transform_indices = @transform_2, window_bounds = array<i64: 10, 1, 100000>}]} {
    %get3A = arith.constant 0 : index
    %get3A_0 = arith.constant 0 : index
    %get3A_1 = vector.load %arg1[%get3A, %get3A_0] : memref<1x100000xf32, #tpu.memory_space<vmem>>, vector<1x100000xf32>
    %broadcast_in_dim3A = vector.shape_cast %get3A_1 : vector<1x100000xf32> to vector<1x1x100000xf32>
    %get3A_2 = arith.constant 0 : index
    %get3A_3 = arith.constant 0 : index
    %get3A_4 = arith.constant 0 : index
    %get3A_5 = vector.load %arg2[%get3A_2, %get3A_3, %get3A_4] : memref<10x1x1xf32, #tpu.memory_space<vmem>>, vector<10x1x1xf32>
    %mul3A = vector.broadcast %broadcast_in_dim3A : vector<1x1x100000xf32> to vector<10x1x100000xf32>
    %mul3A_6 = vector.broadcast %get3A_5 : vector<10x1x1xf32> to vector<10x1x100000xf32>
    %mul3A_7 = arith.mulf %mul3A, %mul3A_6 : vector<10x1x100000xf32>
    %swap3A = arith.constant 0 : index
    %swap3A_8 = arith.constant 0 : index
    %swap3A_9 = arith.constant 0 : index
    %swap3A_10 = vector.load %arg3[%swap3A, %swap3A_8, %swap3A_9] : memref<10x1x100000xf32, #tpu.memory_space<vmem>>, vector<10x1x100000xf32>
    tpu.vector_store %arg3[%swap3A, %swap3A_8, %swap3A_9], %mul3A_7 {strides = array<i32>} : memref<10x1x100000xf32, #tpu.memory_space<vmem>>, vector<10x1x100000xf32>,
    return
  }
  func.func @transform_0(%arg0: i32) -> (i32, i32) {
    %c0_i32 = arith.constant 0 : i32
    %c0_i32_0 = arith.constant 0 : i32
    %c0_i32_1 = arith.constant 0 : i32
    return %c0_i32, %c0_i32_0 : i32, i32
  }
  func.func @transform_1(%arg0: i32) -> (i32, i32, i32) {
    %c0_i32 = arith.constant 0 : i32
    %c0_i32_0 = arith.constant 0 : i32
    %c0_i32_1 = arith.constant 0 : i32
    return %arg0, %c0_i32, %c0_i32_0 : i32, i32, i32
  }
  func.func @transform_2(%arg0: i32) -> (i32, i32, i32) {
    %c0_i32 = arith.constant 0 : i32
    %c0_i32_0 = arith.constant 0 : i32
    %c0_i32_1 = arith.constant 0 : i32
    return %arg0, %c0_i32, %c0_i32_0 : i32, i32, i32
  }
}

module attributes {stable_mosaic.version = 14 : i64} {
  func.func @_height_body(%arg0: i32, %arg1: memref<512x64xf32, #tpu.memory_space<vmem>>, %arg2: memref<512x64xf32, #tpu.memory_space<vmem>>, %arg3: memref<512x64xf32, #tpu.memory_space<vmem>>, %arg4: memref<50x1xf32, #tpu.memory_space<vmem>>, %arg5: memref<50x64x512xf32, #tpu.memory_space<vmem>>) attributes {dimension_semantics = [#tpu.dimension_semantics<arbitrary>], iteration_bounds = array<i64: 8>, scalar_prefetch = 0 : i64, scratch_operands = 0 : i64, tpu.core_type = #tpu.core_type<tc>, window_params = [{transform_indices = @transform_0, window_bounds = array<i64: 512, 64>}, {transform_indices = @transform_1, window_bounds = array<i64: 512, 64>}, {transform_indices = @transform_2, window_bounds = array<i64: 512, 64>}, {pipeline_mode = #tpu.pipeline_mode<synchronous>, transform_indices = @transform_3, window_bounds = array<i64: 50, 1>}, {transform_indices = @transform_4, window_bounds = array<i64: 50, 64, 512>}]} {
    %get3A = arith.constant 0 : index
    %get3A_0 = arith.constant 0 : index
    %get3A_1 = vector.load %arg2[%get3A, %get3A_0] : memref<512x64xf32, #tpu.memory_space<vmem>>, vector<512x64xf32>
    %exp3A = math.exp %get3A_1 : vector<512x64xf32>
    %transpose3A = tpu.transpose %exp3A, [1, 0] : vector<512x64xf32> -> vector<64x512xf32>
    %broadcast_in_dim3A = vector.shape_cast %transpose3A : vector<64x512xf32> to vector<1x64x512xf32>
    %get3A_2 = arith.constant 0 : index
    %get3A_3 = arith.constant 0 : index
    %get3A_4 = vector.load %arg3[%get3A_2, %get3A_3] : memref<512x64xf32, #tpu.memory_space<vmem>>, vector<512x64xf32>
    %transpose3A_5 = tpu.transpose %get3A_4, [1, 0] : vector<512x64xf32> -> vector<64x512xf32>
    %broadcast_in_dim3A_6 = vector.shape_cast %transpose3A_5 : vector<64x512xf32> to vector<1x64x512xf32>
    %get3A_7 = arith.constant 0 : index
    %get3A_8 = arith.constant 0 : index
    %get3A_9 = vector.load %arg1[%get3A_7, %get3A_8] : memref<512x64xf32, #tpu.memory_space<vmem>>, vector<512x64xf32>
    %transpose3A_10 = tpu.transpose %get3A_9, [1, 0] : vector<512x64xf32> -> vector<64x512xf32>
    %broadcast_in_dim3A_11 = vector.shape_cast %transpose3A_10 : vector<64x512xf32> to vector<1x64x512xf32>
    %get3A_12 = arith.constant 0 : index
    %get3A_13 = arith.constant 0 : index
    %get3A_14 = vector.load %arg4[%get3A_12, %get3A_13] : memref<50x1xf32, #tpu.memory_space<vmem>>, vector<50x1xf32>
    %broadcast_in_dim3A_15 = vector.shape_cast %get3A_14 : vector<50x1xf32> to vector<50x1x1xf32>
    %mul3A = vector.broadcast %broadcast_in_dim3A : vector<1x64x512xf32> to vector<50x64x512xf32>
    %mul3A_16 = vector.broadcast %broadcast_in_dim3A_15 : vector<50x1x1xf32> to vector<50x64x512xf32>
    %mul3A_17 = arith.mulf %mul3A, %mul3A_16 : vector<50x64x512xf32>
    %add3A = vector.broadcast %broadcast_in_dim3A_6 : vector<1x64x512xf32> to vector<50x64x512xf32>
    %add3A_18 = arith.addf %mul3A_17, %add3A : vector<50x64x512xf32>
    %neg3A = arith.constant 0.000000e+00 : f32
    %neg3A_19 = vector.broadcast %neg3A : f32 to vector<50x64x512xf32>
    %neg3A_20 = arith.subf %neg3A_19, %add3A_18 : vector<50x64x512xf32>
    %exp3A_21 = math.exp %neg3A_20 : vector<50x64x512xf32>
    %add3A_22 = arith.constant 1.000000e+00 : f32
    %add3A_23 = vector.broadcast %add3A_22 : f32 to vector<50x64x512xf32>
    %add3A_24 = arith.addf %add3A_23, %exp3A_21 : vector<50x64x512xf32>
    %div3A = vector.broadcast %broadcast_in_dim3A_11 : vector<1x64x512xf32> to vector<50x64x512xf32>
    %div3A_25 = arith.divf %div3A, %add3A_24 : vector<50x64x512xf32>
    %swap3A = arith.constant 0 : index
    %swap3A_26 = arith.constant 0 : index
    %swap3A_27 = arith.constant 0 : index
    %swap3A_28 = vector.load %arg5[%swap3A, %swap3A_26, %swap3A_27] : memref<50x64x512xf32, #tpu.memory_space<vmem>>, vector<50x64x512xf32>
    tpu.vector_store %arg5[%swap3A, %swap3A_26, %swap3A_27], %div3A_25 {strides = array<i32>} : memref<50x64x512xf32, #tpu.memory_space<vmem>>, vector<50x64x512xf32>,
    return
  }
  func.func @transform_0(%arg0: i32) -> (i32, i32) {
    %c0_i32 = arith.constant 0 : i32
    %c0_i32_0 = arith.constant 0 : i32
    return %arg0, %c0_i32 : i32, i32
  }
  func.func @transform_1(%arg0: i32) -> (i32, i32) {
    %c0_i32 = arith.constant 0 : i32
    %c0_i32_0 = arith.constant 0 : i32
    return %arg0, %c0_i32 : i32, i32
  }
  func.func @transform_2(%arg0: i32) -> (i32, i32) {
    %c0_i32 = arith.constant 0 : i32
    %c0_i32_0 = arith.constant 0 : i32
    return %arg0, %c0_i32 : i32, i32
  }
  func.func @transform_3(%arg0: i32) -> (i32, i32) {
    %c0_i32 = arith.constant 0 : i32
    %c0_i32_0 = arith.constant 0 : i32
    %c0_i32_1 = arith.constant 0 : i32
    return %c0_i32, %c0_i32_0 : i32, i32
  }
  func.func @transform_4(%arg0: i32) -> (i32, i32, i32) {
    %c0_i32 = arith.constant 0 : i32
    %c0_i32_0 = arith.constant 0 : i32
    %c0_i32_1 = arith.constant 0 : i32
    return %c0_i32, %c0_i32_0, %arg0 : i32, i32, i32
  }
}

</mosaic_0001>

<sc_bundles>
// kernel: kernel.5.cloned.1.call-start
scs
__scs_entry_jumppad:
0x0: {  	(pc) =	sbr.rel $0x88, $3  }
0x1: {  	(tag) =	ssettag $0x0;
	lr =	simm.s32 $0x1  }
0x2: {  	[smem:$0x3F9B] =	sst lr;
	_ =	strace $0xD0000000  }
0x3: {  	_ = 	snop  }
0x4: {  	_ = 	snop  }
0x5: {  	_ = 	snop  }
0x6: {  	_ = 	snop  }
0x7: {  	_ = 	snop  }
__scs_overlays_trampoline_lowered:
0x8: {  	[smem:$0x3FAA] =	sst s0  }
0x9: {  	[smem:$0x3FAB] =	sst s1  }
0xa: {  	[smem:$0x3FAC] =	sst s2  }
0xb: {  	[smem:$0x3FAD] =	sst s3  }
0xc: {  	[smem:$0x3FAE] =	sst s4  }
0xd: {  	[smem:$0x3FAF] =	sst s5  }
0xe: {  	[smem:$0x3FB0] =	sst s6  }
0xf: {  	[smem:$0x3FB1] =	sst s7  }
0x10: {  	[smem:$0x3FB2] =	sst s8  }
0x11: {  	[smem:$0x3FB3] =	sst s9;
	s0 =	simm.s32 @!p0 $0x0  }
0x12: {  	s1 =	sld [smem:$0x3F99];
	s0 =	simm.s32 @p0 $0x1  }
0x13: {  	[smem:$0x3FB4] =	sst s0;
	s0 =	simm.s32 @!p1 $0x0  }
0x14: {  	s2 =	sld [smem:$0x3F98];
	s0 =	simm.s32 @p1 $0x1  }
0x15: {  	[smem:$0x3FB5] =	sst s0;
	s0 =	simm.s32 @!p2 $0x0  }
0x16: {  	s3 =	sld [smem:$0x3FDB];
	s0 =	simm.s32 @p2 $0x1  }
0x17: {  	s4 =	simm.s32 $0x1BF5;
	[smem:$0x3FB7] =	sst s0  }
0x18: {  	s0 =	sld [smem:$0x3F9A];
	_ =	swait.ge [sflag:s4], $0x0  }
0x19: {  	s7 =	sld [smem:$0x3F9B]  }
0x1a: {  	s8 =	sadd.s32 $0xFFFFE003, lr  }
0x1b: {  	s9 =	sadd.s32 $0xFFFFFEF7, lr;
	s5 =	simm.s32 $0xFFFFFFFF;
	p2 =	slt.u32 s8, $0xFFFFF086  }
0x1c: {  	p1 =	slt.u32 s9, $0xF7A;
	s5 =	simm.s32 @!p2 $0x0  }
0x1d: {  	s5 =	simm.s32 @p1 $0x1;
	p0 =	seq.s32 s7, s2  }
0x1e: {  	s7 =	smul.u32 @!p0 $0xF7A, s2;
	p2 =	seq.s32 @!p0 s5, $0x0  }
0x1f: {  	s9 =	smul.u32 $0xF7A, s1;
	s8 =	simm.s32 @!p0 $0x1BF5;
	p2 =	por !p2, p0  }
0x20: {  	[sflag:s8] =	ssyncset.s32 @!p0 $0xFFFFF086;
	s6 =	sadd.s32 @!p0 s3, s7;
	s7 =	simm.s32 @!p0 $0x108  }
0x21: {  	s3 =	sadd.s32 s3, s9;
	s6 =	sadd.s32 @!p0 $0x88, s6;
	s7 =	simm.s32 @p2 $0x1082  }
0x22: {  	[simem:s7], [sflag:s8] =	dma.local @!p0 [hbm:s6], $0xF7A  }
0x23: {  	s9 =	sor.u32 $0xD0000000, s2;
	s6 =	simm.s32 $0x108;
	_ =	swait.ge @!p0 [sflag:s8], $0x0  }
0x24: {  	s3 =	sadd.s32 $0x88, s3;
	s6 =	simm.s32 @!p1 $0x1082;
	[sflag:s4] =	ssyncset.s32 $0xFFFFF086  }
0x25: {  	[simem:s6], [sflag:s4] =	dma.local [hbm:s3], $0xF7A  }
0x26: {  	[smem:$0x3F9B] =	sst s1;
	(tag) =	ssettag s2;
	_ =	strace s9  }
0x27: {  	s1 =	sld [smem:$0x3FAB]  }
0x28: {  	s2 =	sld [smem:$0x3FAC]  }
0x29: {  	s4 =	sld [smem:$0x3FAE]  }
0x2a: {  	p0 =	seq.s32 s5, $0x0;
	s5 =	sld [smem:$0x3FAF]  }
0x2b: {  	s6 =	sld [smem:$0x3FB0]  }
0x2c: {  	s7 =	sld [smem:$0x3FB1]  }
0x2d: {  	s3 =	simm.s32 $0x108;
	s8 =	sld [smem:$0x3FB2]  }
0x2e: {  	s3 =	simm.s32 @!p0 $0x1082;
	s9 =	sld [smem:$0x3FB3]  }
0x2f: {  	lr =	sadd.s32 s0, s3;
	s0 =	sld [smem:$0x3FAA]  }
0x30: {  	s3 =	sld [smem:$0x3FAD]  }
0x31: {  	[smem:$0x3FB6] =	sst s10  }
0x32: {  	s10 =	sld [smem:$0x3FB4];
	_ =	sdelay $0x3  }
0x33: {  	p0 =	seq.s32 s10, $0x1;
	s10 =	sld [smem:$0x3FB6];
	_ =	sdelay $0x3  }
0x34: {  	[smem:$0x3FB6] =	sst s10  }
0x35: {  	s10 =	sld [smem:$0x3FB5];
	_ =	sdelay $0x3  }
0x36: {  	p1 =	seq.s32 s10, $0x1;
	s10 =	sld [smem:$0x3FB6];
	_ =	sdelay $0x3  }
0x37: {  	[smem:$0x3FB6] =	sst s10  }
0x38: {  	s10 =	sld [smem:$0x3FB7]  }
0x39: {  	_ = 	snop;
	(pc) =	sbr.ind lr, $3  }
0x3a: {  	_ = 	snop  }
0x3b: {  	_ = 	snop  }
0x3c: {  	p2 =	seq.s32 s10, $0x1;
	s10 =	sld [smem:$0x3FB6]  }
0x3d: {  	_ =	shalt  }
0x3e: {  	_ =	shalt  }
0x3f: {  	_ =	shalt  }
0x40: {  	_ =	shalt  }
0x41: {  	_ =	shalt  }
0x42: {  	_ =	shalt  }
0x43: {  	_ =	shalt  }
0x44: {  	_ =	shalt  }
0x45: {  	_ =	shalt  }
0x46: {  	_ =	shalt  }
0x47: {  	_ =	shalt  }
0x48: {  	_ =	shalt  }
0x49: {  	_ =	shalt  }
0x4a: {  	_ =	shalt  }
0x4b: {  	_ =	shalt  }
0x4c: {  	_ =	shalt  }
0x4d: {  	_ =	shalt  }
0x4e: {  	_ =	shalt  }
0x4f: {  	_ =	shalt  }
0x50: {  	_ =	shalt  }
0x51: {  	_ =	shalt  }
0x52: {  	_ =	shalt  }
0x53: {  	_ =	shalt  }
0x54: {  	_ =	shalt  }
0x55: {  	_ =	shalt  }
0x56: {  	_ =	shalt  }
0x57: {  	_ =	shalt  }
0x58: {  	_ =	shalt  }
0x59: {  	_ =	shalt  }
0x5a: {  	_ =	shalt  }
0x5b: {  	_ =	shalt  }
0x5c: {  	_ =	shalt  }
0x5d: {  	_ =	shalt  }
0x5e: {  	_ =	shalt  }
0x5f: {  	_ =	shalt  }
0x60: {  	_ =	shalt  }
0x61: {  	_ =	shalt  }
0x62: {  	_ =	shalt  }
0x63: {  	_ =	shalt  }
0x64: {  	_ =	shalt  }
0x65: {  	_ =	shalt  }
0x66: {  	_ =	shalt  }
0x67: {  	_ =	shalt  }
0x68: {  	_ =	shalt  }
0x69: {  	_ =	shalt  }
0x6a: {  	_ =	shalt  }
0x6b: {  	_ =	shalt  }
0x6c: {  	_ =	shalt  }
0x6d: {  	_ =	shalt  }
0x6e: {  	_ =	shalt  }
0x6f: {  	_ =	shalt  }
0x70: {  	_ =	shalt  }
0x71: {  	_ =	shalt  }
0x72: {  	_ =	shalt  }
0x73: {  	_ =	shalt  }
0x74: {  	_ =	shalt  }
0x75: {  	_ =	shalt  }
0x76: {  	_ =	shalt  }
0x77: {  	_ =	shalt  }
0x78: {  	_ =	shalt  }
0x79: {  	_ =	shalt  }
0x7a: {  	_ =	shalt  }
0x7b: {  	_ =	shalt  }
0x7c: {  	_ =	shalt  }
0x7d: {  	_ =	shalt  }
0x7e: {  	_ =	shalt  }
0x7f: {  	_ =	shalt  }
0x80: {  	_ =	shalt  }
0x81: {  	_ =	shalt  }
0x82: {  	_ =	shalt  }
0x83: {  	_ =	shalt  }
0x84: {  	_ =	shalt  }
0x85: {  	_ =	shalt  }
0x86: {  	_ =	shalt  }
0x87: {  	_ =	shalt  }
.Lfunc_end0:
.L_simem_size_0:
called_computation_lowered:
.L_overlay_start_0:
0x88: {  	s2 =	sld [smem:$0x3FD9]  }
0x89: {  	s3 =	sld [smem:$0x3FFE];
	_ =	sdelay $0x1  }
0x8a: {  	s1 =	srdreg.scid  }
0x8b: {  	s0 =	sand.u32 $0x1, s1  }
0x8c: {  	s14 =	sshll.u32 s0, $0xA;
	s2 =	sadd.s32 s3, s2  }
0x8d: {  	s2 =	sadd.s32 s2, s14  }
0x8e: {  	[smem:$0x3FC2] =	sst s2  }
0x8f: {  	_ = 	snop  }
0x90: {  	s2 =	sld [smem:$0x3FD0];
	_ =	sdelay $0x2  }
0x91: {  	s4 =	simm.s32 $0xA;
	s5 =	simm.s32 $0x10;
	s15 =	sld [smem:$0x3FC8]  }
0x92: {  	[smem:s5], [sflag:s4] =	dma.local [hbm:s2], $0x1  }
0x93: {  	_ =	swait.eq [sflag:s4], $0x1  }
0x94: {  	[sflag:s4] =	ssyncset.done $0x0  }
0x95: {  	[sflag:s4] =	ssyncadd.s32 $0xFFFFFFFF  }
0x96: {  	s16 =	sld [smem:$0x10];
	(tm) =	ssettm $0x1  }
0x97: {  	s17 =	sld [smem:$0x3FFB];
	_ =	sdelay $0x3  }
0x98: {  	_ =	strace s17  }
0x99: {  	s4 =	sld [smem:$0x3FFC];
	_ =	sdelay $0x3  }
0x9a: {  	_ =	strace s4  }
0x9b: {  	s4 =	sld [smem:$0x3FFD];
	_ =	sdelay $0x3  }
0x9c: {  	_ =	strace s4  }
0x9d: {  	_ =	strace $0x8FFFFFFF  }
0x9e: {  	s18 =	sld [smem:$0x3FDB];
	_ =	sdelay $0x1  }
0x9f: {  	s19 =	simm.s32 $_scs_section_size  }
0xa0: {  	s6 =	simm.s32 $_size__tile_overlayer_lowered;
	s7 =	simm.s32 $_tile_overlayer_lowered  }
0xa1: {  	s22 =	simm.s32 $0x1BFF;
	s21 =	sshll.u32 s7, $0x1;
	s4 =	sadd.s32 s19, s18  }
0xa2: {  	s8 =	simm.s32 $0x0;
	s20 =	sshll.u32 s6, $0x1;
	s6 =	sadd.s32 s21, s4  }
0xa3: {  	[timem:s8], [sflag:s22] =	dma.local [hbm:s6], s20  }
0xa4: {  	_ =	swait.ge [sflag:s22], s20  }
0xa5: {  	s5 =	ssub.s32 $0x0, s20;
	[sflag:s22] =	ssyncset.done $0x0  }
0xa6: {  	[sflag:s22] =	ssyncadd.s32 s5;
	_ =	sdelay $0x1  }
0xa7: {  	s23 =	simm.s32 $0x1B8B  }
0xa8: {  	_ =	swait.ge [sflag:s23], $0x1  }
0xa9: {  	[sflag:s23] =	ssyncset.done $0x0  }
0xaa: {  	s25 =	simm.s32 $0x1B8E;
	s24 =	sld [smem:$0x3FFE];
	[sflag:s23] =	ssyncadd.s32 $0xFFFFFFFF  }
0xab: {  	s26 =	simm.s32 $execute0_lowered;
	[smem:$0x3FD2] =	sst s25  }
0xac: {  	s6 =	sshll.u32 s26, $0x1;
	_ =	strace $0x80000046;
	[dreg:$0x1] =	wrdreg $0xFFFFFFFF  }
0xad: {  	s28 =	simm.s32 $_size_execute0_lowered;
	s4 =	sadd.s32 s4, s6;
	[dreg:$0x0] =	wrdreg $0x0  }
0xae: {  	s6 =	sshll.u32 s28, $0x1;
	[dreg:$0x2] =	wrdreg s4  }
0xaf: {  	[dreg:$0x3] =	wrdreg s6  }
0xb0: {  	[dreg:$0x4] =	wrdreg $0xC0  }
0xb1: {  	_ =	task [dreg:s8], $0x5FFFF  }
0xb2: {  	[dreg:$0x1] =	wrdreg $0xFFFFFFFF  }
0xb3: {  	[dreg:$0x0] =	wrdreg $0x60  }
0xb4: {  	[dreg:$0x2] =	wrdreg s16  }
0xb5: {  	[dreg:$0x3] =	wrdreg s24  }
0xb6: {  	[dreg:$0x4] =	wrdreg s15  }
0xb7: {  	[dreg:$0x5] =	wrdreg $0x9  }
0xb8: {  	_ =	task.clear_ibuf [dreg:s8], $0x6FFFF;
	_ =	strace $0x90000046  }
0xb9: {  	s29 =	simm.s32 $0x9;
	_ =	strace $0x80000048  }
0xba: {  	_ =	swait.ge [sflag:s29], $0x1  }
0xbb: {  	[sflag:s29] =	ssyncadd.s32 $0xFFFFFFFF  }
0xbc: {  	_ =	strace $0x90000048  }
0xbd: {  	_ =	sfence  }
0xbe: {  	s30 =	sld [smem:$0x0];
	_ =	sdelay $0x2  }
0xbf: {  	s31 =	sshll.u32 s1, $0xD;
	s1 =	sshrl.u32 s1, $0x2  }
0xc0: {  	s3 =	sand.u32 $0x4000, s31;
	s1 =	sadd.s32 s1, s30  }
0xc1: {  	s0 =	sor.u32 s3, s0;
	s1 =	sshll.u32 s1, $0x11  }
0xc2: {  	s0 =	sor.u32 s1, s0  }
0xc3: {  	s0 =	sadd.s32 $0x8F2B, s0  }
0xc4: {  	[sflag:s0] =	ssyncadd.remote.s32 $0x1  }
0xc5: {  	_ =	sfence.sel $0xFFFF  }
0xc6: {  	[dreg:$0x0] =	wrdreg $0xFFFFFFFF;
	(pc) =	sbr.abs _section_cstart, $3  }
0xc7: {  	[dreg:$0x1] =	wrdreg $0xFFFFFFFF  }
0xc8: {  	_ =	task.clear_ibuf [dreg:s8], $0x2FFFF;
	_ =	strace $0x9FFFFFFF  }
0xc9: {  	(tm) =	ssettm $0x7FFFFFFF  }
tec
execute0_lowered:
.L_overlay_start_1:
0x0: {  	(tag) =	ssettag $0x1  }
0x1: {  	s1 =	rddreg [dreg:$0x0]  }
0x2: {  	s6 =	rddreg [dreg:$0x1]  }
0x3: {  	s7 =	rddreg [dreg:$0x2]  }
0x4: {  	s0 =	rddreg [dreg:$0x3]  }
0x5: {  	s4 =	srdreg.scid;
	s3 =	simm.s32 $0x0;
	s2 =	stileid.u32  }
0x6: {  	s11 =	simm.s32 $0x4;
	s12 =	simm.s32 $0x1;
	s13 =	simm.s32 $0x80  }
0x7: {  	s14 =	simm.s32 $0x2;
	s15 =	simm.s32 $0x4080;
	s16 =	simm.s32 $0x3  }
0x8: {  	s17 =	simm.s32 $0x8080;
	s18 =	simm.s32 $0x0;
	s5 =	sand.u32 $0x1, s4  }
0x9: {  	[smem:$0x7FF] =	sst s3;
	s30 =	sshll.u32 s2, $0x8;
	s8 =	sshll.u32 s5, $0x7  }
0xa: {  	s4 =	sadd.s32 $0x1400, s6;
	_ =	strace $0x80000047;
	s8 =	sor.u32 s8, s30  }
0xb: {  	s10 =	ssub.s32 $0x2, s5;
	s5 =	sadd.s32 $0x187E00, s6;
	s9 =	sshll.u32 s8, $0x4  }
0xc: {  	s31 =	sshrl.u32 s10, $0x1;
	s8 =	sshrl.u32 s8, $0x3;
	s9 =	sadd.s32 s9, s6  }
0xd: {  	s10 =	ssub.s32 s10, s31;
	s7 =	sadd.s32 s7, s8;
	s6 =	sadd.s32 $0x30E800, s9  }
0xe: {  	v0 =	vlaneseq.u32;
	s10 =	smax.u32 s10, $0x1;
	s8 =	sadd.s32 $0x31E800, s9;
	s9 =	sadd.s32 $0x32E800, s9  }
.LBB2_1:
0xf: {  	[tilespmem:s3], [sflag:$0x4] =	stream.linear.gather [hbm4b:s7+s3], $0x80, $0x38;
	[tilespmem:$0xC080] =	vst v63  }
0x10: {  	_ =	swait.ge [sflag:s11], $0x80  }
0x11: {  	s19 =	sand.u32 $0x1C0, s3;
	[sflag:s11] =	ssyncset.done $0x0  }
0x12: {  	s19 =	sshrl.u32 s19, $0x2;
	[sflag:s11] =	ssyncadd.s32 $0xFFFFFF80  }
0x13: {  	v1 =	vld [tilespmem:s19+$0x0];
	_ =	sdelay $0x1  }
0x14: {  	s26 =	sand.u32 $0xF, s3  }
0x15: {  	v2 =	vmov s26  }
0x16: {  	vm0 =	veq.s32 v2, v0  }
0x17: {  	v1 =	vnsel vm0, $0x0, v1  }
0x18: {  	(xrf0) =	vadd.scan.msk.s32 $0xffff, v1;
	_ =	sdelay $0x5  }
0x19: {  	v1, _, _ =	vpop (xrf0)  }
0x1a: {  	(v2sf) =	vpush v1, $0xF;
	_ =	sdelay $0xe  }
0x1b: {  	s28 =	spop (v2sf)  }
0x1c: {  	s19 =	sshll.u32 s28, $0x4  }
0x1d: {  	s19 =	sand.u32 $0x1FFFFFF0, s19  }
0x1e: {  	s22 =	simm.s32 $0x4;
	s20 =	sadd.s32 s1, s19  }
0x1f: {  	[tilespmem:s13], [sflag:$0x1] =	stream.linear.gather [hbm4b:s20+s3], $0x80, $0x38;
	[tilespmem:$0xC080] =	vst v63  }
0x20: {  	s23 =	simm.s32 $0x1;
	s30 =	sand.u32 $0x1C0, s22;
	s29 =	sadd.s32 s4, s19  }
0x21: {  	[tilespmem:s15], [sflag:$0x2] =	stream.linear.gather [hbm4b:s29+s3], $0x80, $0x38;
	[tilespmem:$0xC080] =	vst v63  }
0x22: {  	s24 =	simm.s32 $0x2;
	s31 =	sshrl.u32 s30, $0x2;
	s19 =	sadd.s32 s5, s19  }
0x23: {  	[tilespmem:s17], [sflag:$0x3] =	stream.linear.gather [hbm4b:s19+s3], $0x80, $0x38;
	[tilespmem:$0xC080] =	vst v63  }
0x24: {  	s21 =	simm.s32 $0x80;
	s20 =	simm.s32 $0x4080;
	s19 =	simm.s32 $0x8080;
	v1 =	vld [tilespmem:s31+$0x0]  }
.LBB2_2:
0x25: {  	p0 =	sne.s32 s24, $0x7F  }
0x26: {  	s25 =	sand.u32 $0xF, s23;
	s23 =	smov.u32 s24  }
0x27: {  	v2 =	vmov s25  }
0x28: {  	vm0 =	veq.s32 v2, v0  }
0x29: {  	v1 =	vnsel vm0, $0x0, v1  }
0x2a: {  	(xrf0) =	vadd.scan.msk.s32 $0xffff, v1;
	_ =	sdelay $0x5  }
0x2b: {  	v1, _, _ =	vpop (xrf0)  }
0x2c: {  	(v2sf) =	vpush v1, $0xF;
	_ =	sdelay $0xe  }
0x2d: {  	s25 =	spop (v2sf)  }
0x2e: {  	s25 =	sshll.u32 s25, $0x4  }
0x2f: {  	s22 =	sadd.s32 $0x4, s22;
	s25 =	sand.u32 $0x1FFFFFF0, s25  }
0x30: {  	s21 =	sadd.s32 $0x80, s21;
	s20 =	sadd.s32 $0x80, s20;
	s26 =	sadd.s32 s1, s25  }
0x31: {  	[tilespmem:s21], [sflag:$0x1] =	stream.linear.gather [hbm4b:s26+s3], $0x80, $0x38;
	[tilespmem:$0xC080] =	vst v63  }
.Ltmp0:
0x32: {  	s28 =	sadd.s32 s4, s25;
	s26 =	sand.u32 $0x1C0, s22;
	(pc) =	sbr.rel @p0 .LBB2_2-.Ltmp0, $4  }
0x33: {  	[tilespmem:s20], [sflag:$0x2] =	stream.linear.gather [hbm4b:s28+s3], $0x80, $0x38;
	[tilespmem:$0xC080] =	vst v63  }
0x34: {  	s19 =	sadd.s32 $0x80, s19;
	s25 =	sadd.s32 s5, s25;
	s26 =	sshrl.u32 s26, $0x2  }
0x35: {  	[tilespmem:s19], [sflag:$0x3] =	stream.linear.gather [hbm4b:s25+s3], $0x80, $0x38;
	[tilespmem:$0xC080] =	vst v63  }
0x36: {  	s24 =	sadd.s32 $0x1, s24;
	v1 =	vld [tilespmem:s26+$0x0]  }
0x37: {  	_ = 	snop  }
0x38: {  	s22 =	sand.u32 $0xF, s23  }
0x39: {  	v2 =	vmov s22  }
0x3a: {  	vm0 =	veq.s32 v2, v0  }
0x3b: {  	v1 =	vnsel vm0, $0x0, v1  }
0x3c: {  	(xrf0) =	vadd.scan.msk.s32 $0xffff, v1;
	_ =	sdelay $0x5  }
0x3d: {  	v1, _, _ =	vpop (xrf0)  }
0x3e: {  	(v2sf) =	vpush v1, $0xF;
	_ =	sdelay $0xe  }
0x3f: {  	s28 =	spop (v2sf)  }
0x40: {  	s22 =	sshll.u32 s28, $0x4  }
0x41: {  	s22 =	sand.u32 $0x1FFFFFF0, s22  }
0x42: {  	s21 =	sadd.s32 $0x80, s21;
	s29 =	sadd.s32 s1, s22  }
0x43: {  	[tilespmem:s21], [sflag:$0x1] =	stream.linear.gather [hbm4b:s29+s3], $0x80, $0x38;
	[tilespmem:$0xC080] =	vst v63  }
0x44: {  	s20 =	sadd.s32 $0x80, s20;
	s30 =	sadd.s32 s4, s22  }
0x45: {  	[tilespmem:s20], [sflag:$0x2] =	stream.linear.gather [hbm4b:s30+s3], $0x80, $0x38;
	[tilespmem:$0xC080] =	vst v63  }
0x46: {  	s19 =	sadd.s32 $0x80, s19;
	s31 =	sadd.s32 s5, s22  }
0x47: {  	[tilespmem:s19], [sflag:$0x3] =	stream.linear.gather [hbm4b:s31+s3], $0x80, $0x38;
	[tilespmem:$0xC080] =	vst v63  }
0x48: {  	_ =	swait.ge [sflag:s12], $0x4000  }
0x49: {  	[sflag:s12] =	ssyncset.done $0x0  }
0x4a: {  	[sflag:s12] =	ssyncadd.s32 $0xFFFFC000  }
0x4b: {  	[hbm4b:s6+s3] =	stream.linear.scatter [tilespmem:s13], [sflag:$0x4], $0x4000, $0x38;
	[tilespmem:$0xC080] =	vst v63  }
0x4c: {  	_ =	swait.ge [sflag:s11], $0x4000  }
0x4d: {  	[sflag:s11] =	ssyncset.done $0x0  }
0x4e: {  	[sflag:s11] =	ssyncadd.s32 $0xFFFFC000  }
0x4f: {  	_ =	swait.ge [sflag:s14], $0x4000  }
0x50: {  	[sflag:s14] =	ssyncset.done $0x0  }
0x51: {  	[sflag:s14] =	ssyncadd.s32 $0xFFFFC000  }
0x52: {  	[hbm4b:s8+s3] =	stream.linear.scatter [tilespmem:s15], [sflag:$0x4], $0x4000, $0x38;
	[tilespmem:$0xC080] =	vst v63  }
0x53: {  	_ =	swait.ge [sflag:s11], $0x4000  }
0x54: {  	[sflag:s11] =	ssyncset.done $0x0  }
0x55: {  	[sflag:s11] =	ssyncadd.s32 $0xFFFFC000  }
0x56: {  	s18 =	sadd.s32 $0x1, s18;
	_ =	swait.ge [sflag:s16], $0x4000  }
0x57: {  	p0 =	sne.s32 s18, s10;
	[sflag:s16] =	ssyncset.done $0x0  }
.Ltmp1:
0x58: {  	[sflag:s16] =	ssyncadd.s32 $0xFFFFC000;
	(pc) =	sbr.rel @p0 .LBB2_1-.Ltmp1, $4  }
0x59: {  	[hbm4b:s9+s3] =	stream.linear.scatter [tilespmem:s17], [sflag:$0x4], $0x4000, $0x38;
	[tilespmem:$0xC080] =	vst v63  }
0x5a: {  	_ =	swait.ge [sflag:s11], $0x4000  }
0x5b: {  	[sflag:s11] =	ssyncset.done $0x0  }
0x5c: {  	[sflag:s11] =	ssyncadd.s32 $0xFFFFC000  }
0x5d: {  	_ =	sfence.sel $0x180000  }
0x5e: {  	[bflag:$0x0] =	sbarrier.arrive $0xFFFF  }
0x5f: {  	p0 =	sne.s32 s2, $0x0;
	_ =	strace $0x90000047  }
0x60: {  	s0 =	sadd.s32 @!p0 $0x100000, s0;
	[bflag:$0x2] =	sbarrier.arrive $0xFFFF  }
0x61: {  	[sflag:s0] =	ssyncadd.tile.s32 @!p0 $0x1;
	_ =	shalt  }
.Lfunc_end2:
_tile_overlayer_lowered:
.L_overlay_start_2:
0x62: {  	(tag) =	ssettag $0x2  }
0x63: {  	s0 =	rddreg [dreg:$0x0];
	s2 =	stileid.u32  }
0x64: {  	s1 =	rddreg [dreg:$0x1];
	p0 =	sne.s32 s2, $0x0  }
0x65: {  	s3 =	rddreg [dreg:$0x2];
	[bflag:$0x3] =	sbarrier.arrive $0xFFFF;
	s2 =	simm.s32 @!p0 $0x1C04  }
0x66: {  	[timem:s3], [sflag:s2] =	dma.local @!p0 [hbm:s0], s1  }
0x67: {  	s0 =	simm.s32 @!p0 $0x4  }
0x68: {  	_ =	swait.ge @!p0 [sflag:s0], s1  }
0x69: {  	s1 =	ssub.s32 @!p0 $0x0, s1;
	[sflag:s0] =	ssyncset.done @!p0 $0x0  }
0x6a: {  	[sflag:s0] =	ssyncadd.s32 @!p0 s1  }
0x6b: {  	[bflag:$0x3] =	sbarrier.arrive $0xFFFF  }
0x6c: {  	_ =	shalt  }

</sc_bundles>
